<compile_context>
chip_gen: v7x
topology: tpu7x:2x2x1
jax: 0.10.2.dev20260603
libtpu: 0.0.44.dev20260713+nightly
codegen_flags: <defaults>
</compile_context>

<pallas_src>
import jax
import jax.numpy as jnp
from jax.experimental import pallas as pl

NUM_FREQ = 32
MAX_FREQ = 200.0
PI = 3.14159265358979323846
DSTEP = (MAX_FREQ / 2.0 - 1.0) / (NUM_FREQ - 1)

S0 = 3.141592653589793
S1 = -5.167712780049970
S2 = 2.550164039877345
S3 = -0.5992645293207921
S4 = 0.08214588661112823
C0 = 1.0
C1 = -4.934802200544679
C2 = 4.058712126416768
C3 = -1.3352627688545895
C4 = 0.2353306303588932

ROWS_PER_BLOCK = 1024


def _encode_block(x_ref, o_ref):
    xb = x_ref[...]
    x0 = xb[:, 0:1]
    x1 = xb[:, 1:2]
    x2 = xb[:, 2:3]

    lane = jax.lax.broadcasted_iota(jnp.int32, (1, 128), 1)
    fidx = (lane % NUM_FREQ).astype(jnp.float32)
    coord = (lane // NUM_FREQ) % 2
    m = 1.0 + fidx * DSTEP
    m0 = jnp.where(coord == 0, m, 0.0)
    m1 = jnp.where(coord == 1, m, 0.0)

    u = x0 * m0 + x1 * m1
    k = jnp.floor(u + 0.5)
    t = u - k
    t2 = t * t
    h = k * 0.5
    sgn = 1.0 - 4.0 * (h - jnp.floor(h))
    st = sgn * t
    sv = st * (S0 + t2 * (S1 + t2 * (S2 + t2 * (S3 + t2 * S4))))
    cv = sgn * (C0 + t2 * (C1 + t2 * (C2 + t2 * (C3 + t2 * C4))))
    o_ref[:, 0:128] = jnp.where(lane < 2 * NUM_FREQ, sv, cv)

    jj = jax.lax.broadcasted_iota(jnp.int32, (1, 8), 1) + 1
    o_ref[:, 128:136] = (x2.astype(jnp.int32) == jj).astype(jnp.float32)


def kernel(x):
    b, n, _ = x.shape
    rows = b * n
    xf = x.reshape(rows, 3)
    grid = rows // ROWS_PER_BLOCK
    out = pl.pallas_call(
        _encode_block,
        grid=(grid,),
        in_specs=[pl.BlockSpec((ROWS_PER_BLOCK, 3), lambda i: (i, 0))],
        out_specs=pl.BlockSpec((ROWS_PER_BLOCK, 136), lambda i: (i, 0)),
        out_shape=jax.ShapeDtypeStruct((rows, 136), x.dtype),
    )(xf)
    return out.reshape(b, n, 136)

# --- scband reference (transcript-rebuilt; emitter-appended) ---
"""Pipeline reference for scband-signal-ia-33621003993599 (READ-ONLY COPY).

The authoritative reference and input builder live on the scoring server;
editing this copy changes nothing except your own understanding.
"""

import math
import jax, jax.numpy as jnp
import numpy as np

NUM_FREQ = 32
MAX_FREQ = 200.0
MAX_ENUM = 8


def setup_inputs(seed: int = 0) -> dict:
    key = jax.random.key(seed)
    # fill=rand -> uniform [0,1). Positions in [0,1); state channel floors to 0,
    # so scatter index (state+1)=1 is always in-range for the one-hot of size max_enum+2.
    x = jax.random.uniform(key, (16384, 50, 3), dtype=jnp.float32)
    return {"x": x}


def reference(x):
    # InputMode.FPOS: fourier features over (x, y), include_positions=False
    freqs = jnp.linspace(1.0, MAX_FREQ / 2.0, NUM_FREQ, dtype=x.dtype)
    g0 = x[..., 0:1] * freqs[None, :]  # [B, N, 32]
    g1 = x[..., 1:2] * freqs[None, :]  # [B, N, 32]
    enc_x = jnp.concatenate(
        [
            jnp.sin(math.pi * g0),
            jnp.sin(math.pi * g1),
            jnp.cos(math.pi * g0),
            jnp.cos(math.pi * g1),
        ],
        axis=-1,
    )  # [B, N, 128]
    # ClassMode.ONEHOT: zeros[B, N, max_enum+2], scatter ones at state+1, slice off first two
    idx = x[..., -1].astype(jnp.int32) + 1  # [B, N]
    onehot = jax.nn.one_hot(idx, MAX_ENUM + 2, dtype=enc_x.dtype)  # [B, N, 10]
    enc_x = jnp.concatenate([enc_x, onehot[..., 2:]], axis=-1)  # [B, N, 136]
    # pad_mask is None -> returned unchanged as None; return enc_x only
    return enc_x

if __name__ == "__main__":
    import jax
    _d = setup_inputs()
    print(jax.jit(kernel)(*tuple(_d.values())))

</pallas_src>

<mosaic_0001>
module attributes {stable_mosaic.version = 14 : i64} {
  func.func @_encode_block(%arg0: i32, %arg1: memref<1024x3xf32, #tpu.memory_space<vmem>>, %arg2: memref<1024x136xf32, #tpu.memory_space<vmem>>) attributes {dimension_semantics = [#tpu.dimension_semantics<arbitrary>], iteration_bounds = array<i64: 800>, scalar_prefetch = 0 : i64, scratch_operands = 0 : i64, tpu.core_type = #tpu.core_type<tc>, window_params = [{transform_indices = @transform_0, window_bounds = array<i64: 1024, 3>}, {transform_indices = @transform_1, window_bounds = array<i64: 1024, 136>}]} {
    %get3A = arith.constant 0 : index
    %get3A_0 = arith.constant 0 : index
    %get3A_1 = vector.load %arg1[%get3A, %get3A_0] : memref<1024x3xf32, #tpu.memory_space<vmem>>, vector<1024x3xf32>
    %slice3A = vector.extract_strided_slice %get3A_1 {offsets = [0, 0], sizes = [1024, 1], strides = [1, 1]} : vector<1024x3xf32> to vector<1024x1xf32>
    %slice3A_2 = vector.extract_strided_slice %get3A_1 {offsets = [0, 1], sizes = [1024, 1], strides = [1, 1]} : vector<1024x3xf32> to vector<1024x1xf32>
    %slice3A_3 = vector.extract_strided_slice %get3A_1 {offsets = [0, 2], sizes = [1024, 1], strides = [1, 1]} : vector<1024x3xf32> to vector<1024x1xf32>
    %iota3A = tpu.iota {dimensions = array<i32: 1>} : vector<1x128xi32>
    %jit3A = arith.constant 32 : i32
    %eq3A = arith.constant 0 : i32
    %eq3A_4 = arith.cmpi eq, %jit3A, %eq3A : i32
    %jit3A_5 = arith.constant 1 : i32
    %select_n3A = arith.select %eq3A_4, %jit3A_5, %jit3A : i32
    %rem3A = vector.broadcast %select_n3A : i32 to vector<1x128xi32>
    %rem3A_6 = arith.remsi %iota3A, %rem3A : vector<1x128xi32>
    %ne3A = arith.constant 0 : i32
    %ne3A_7 = vector.broadcast %ne3A : i32 to vector<1x128xi32>
    %ne3A_8 = arith.cmpi ne, %rem3A_6, %ne3A_7 : vector<1x128xi32>
    %lt3A = arith.constant 0 : i32
    %lt3A_9 = vector.broadcast %lt3A : i32 to vector<1x128xi32>
    %lt3A_10 = arith.cmpi slt, %rem3A_6, %lt3A_9 : vector<1x128xi32>
    %lt3A_11 = arith.constant 0 : i32
    %lt3A_12 = arith.cmpi slt, %select_n3A, %lt3A_11 : i32
    %ne3A_13 = vector.broadcast %lt3A_12 : i1 to vector<1x128xi1>
    %ne3A_14 = vector.broadcast %ne3A_13 : vector<1x128xi1> to vector<1x128xi1>
    %ne3A_15 = arith.xori %lt3A_10, %ne3A_14 : vector<1x128xi1>
    %and3A = arith.andi %ne3A_15, %ne3A_8 : vector<1x128xi1>
    %add3A = vector.broadcast %select_n3A : i32 to vector<1x128xi32>
    %add3A_16 = arith.addi %rem3A_6, %add3A : vector<1x128xi32>
    %select_n3A_17 = arith.select %and3A, %add3A_16, %rem3A_6 : vector<1x128xi1>, vector<1x128xi32>
    %convert_element_type3A = arith.sitofp %select_n3A_17 : vector<1x128xi32> to vector<1x128xf32>
    %jit3A_18 = arith.constant 32 : i32
    %div3A = vector.broadcast %jit3A_18 : i32 to vector<1x128xi32>
    %div3A_19 = arith.divsi %iota3A, %div3A : vector<1x128xi32>
    %sign3A = arith.constant 0 : i32
    %sign3A_20 = vector.broadcast %sign3A : i32 to vector<1x128xi32>
    %sign3A_21 = arith.cmpi sgt, %iota3A, %sign3A_20 : vector<1x128xi32>
    %sign3A_22 = arith.extui %sign3A_21 : vector<1x128xi1> to vector<1x128xi32>
    %sign3A_23 = arith.constant 0 : i32
    %sign3A_24 = vector.broadcast %sign3A_23 : i32 to vector<1x128xi32>
    %sign3A_25 = arith.cmpi slt, %iota3A, %sign3A_24 : vector<1x128xi32>
    %sign3A_26 = arith.extui %sign3A_25 : vector<1x128xi1> to vector<1x128xi32>
    %sign3A_27 = arith.subi %sign3A_22, %sign3A_26 : vector<1x128xi32>
    %sign3A_28 = arith.constant 0 : i32
    %sign3A_29 = arith.cmpi sgt, %jit3A_18, %sign3A_28 : i32
    %sign3A_30 = arith.extui %sign3A_29 : i1 to i32
    %sign3A_31 = arith.constant 0 : i32
    %sign3A_32 = arith.cmpi slt, %jit3A_18, %sign3A_31 : i32
    %sign3A_33 = arith.extui %sign3A_32 : i1 to i32
    %sign3A_34 = arith.subi %sign3A_30, %sign3A_33 : i32
    %ne3A_35 = vector.broadcast %sign3A_34 : i32 to vector<1x128xi32>
    %ne3A_36 = arith.cmpi ne, %sign3A_27, %ne3A_35 : vector<1x128xi32>
    %rem3A_37 = vector.broadcast %jit3A_18 : i32 to vector<1x128xi32>
    %rem3A_38 = arith.remsi %iota3A, %rem3A_37 : vector<1x128xi32>
    %ne3A_39 = arith.constant 0 : i32
    %ne3A_40 = vector.broadcast %ne3A_39 : i32 to vector<1x128xi32>
    %ne3A_41 = arith.cmpi ne, %rem3A_38, %ne3A_40 : vector<1x128xi32>
    %and3A_42 = arith.andi %ne3A_36, %ne3A_41 : vector<1x128xi1>
    %sub3A = arith.constant 1 : i32
    %sub3A_43 = vector.broadcast %sub3A : i32 to vector<1x128xi32>
    %sub3A_44 = arith.subi %div3A_19, %sub3A_43 : vector<1x128xi32>
    %select_n3A_45 = arith.select %and3A_42, %sub3A_44, %div3A_19 : vector<1x128xi1>, vector<1x128xi32>
    %jit3A_46 = arith.constant 2 : i32
    %eq3A_47 = arith.constant 0 : i32
    %eq3A_48 = arith.cmpi eq, %jit3A_46, %eq3A_47 : i32
    %jit3A_49 = arith.constant 1 : i32
    %select_n3A_50 = arith.select %eq3A_48, %jit3A_49, %jit3A_46 : i32
    %rem3A_51 = vector.broadcast %select_n3A_50 : i32 to vector<1x128xi32>
    %rem3A_52 = arith.remsi %select_n3A_45, %rem3A_51 : vector<1x128xi32>
    %ne3A_53 = arith.constant 0 : i32
    %ne3A_54 = vector.broadcast %ne3A_53 : i32 to vector<1x128xi32>
    %ne3A_55 = arith.cmpi ne, %rem3A_52, %ne3A_54 : vector<1x128xi32>
    %lt3A_56 = arith.constant 0 : i32
    %lt3A_57 = vector.broadcast %lt3A_56 : i32 to vector<1x128xi32>
    %lt3A_58 = arith.cmpi slt, %rem3A_52, %lt3A_57 : vector<1x128xi32>
    %lt3A_59 = arith.constant 0 : i32
    %lt3A_60 = arith.cmpi slt, %select_n3A_50, %lt3A_59 : i32
    %ne3A_61 = vector.broadcast %lt3A_60 : i1 to vector<1x128xi1>
    %ne3A_62 = vector.broadcast %ne3A_61 : vector<1x128xi1> to vector<1x128xi1>
    %ne3A_63 = arith.xori %lt3A_58, %ne3A_62 : vector<1x128xi1>
    %and3A_64 = arith.andi %ne3A_63, %ne3A_55 : vector<1x128xi1>
    %add3A_65 = vector.broadcast %select_n3A_50 : i32 to vector<1x128xi32>
    %add3A_66 = arith.addi %rem3A_52, %add3A_65 : vector<1x128xi32>
    %select_n3A_67 = arith.select %and3A_64, %add3A_66, %rem3A_52 : vector<1x128xi1>, vector<1x128xi32>
    %mul3A = arith.constant 3.19354844 : f32
    %mul3A_68 = vector.broadcast %mul3A : f32 to vector<1x128xf32>
    %mul3A_69 = arith.mulf %convert_element_type3A, %mul3A_68 : vector<1x128xf32>
    %add3A_70 = arith.constant 1.000000e+00 : f32
    %add3A_71 = vector.broadcast %add3A_70 : f32 to vector<1x128xf32>
    %add3A_72 = arith.addf %add3A_71, %mul3A_69 : vector<1x128xf32>
    %eq3A_73 = arith.constant 0 : i32
    %eq3A_74 = vector.broadcast %eq3A_73 : i32 to vector<1x128xi32>
    %eq3A_75 = arith.cmpi eq, %select_n3A_67, %eq3A_74 : vector<1x128xi32>
    %jit3A_76 = arith.constant 0.000000e+00 : f32
    %broadcast_in_dim3A = vector.broadcast %jit3A_76 : f32 to vector<1x128xf32>
    %select_n3A_77 = arith.select %eq3A_75, %add3A_72, %broadcast_in_dim3A : vector<1x128xi1>, vector<1x128xf32>
    %eq3A_78 = arith.constant 1 : i32
    %eq3A_79 = vector.broadcast %eq3A_78 : i32 to vector<1x128xi32>
    %eq3A_80 = arith.cmpi eq, %select_n3A_67, %eq3A_79 : vector<1x128xi32>
    %jit3A_81 = arith.constant 0.000000e+00 : f32
    %broadcast_in_dim3A_82 = vector.broadcast %jit3A_81 : f32 to vector<1x128xf32>
    %select_n3A_83 = arith.select %eq3A_80, %add3A_72, %broadcast_in_dim3A_82 : vector<1x128xi1>, vector<1x128xf32>
    %mul3A_84 = vector.broadcast %slice3A : vector<1024x1xf32> to vector<1024x128xf32>
    %mul3A_85 = vector.broadcast %select_n3A_77 : vector<1x128xf32> to vector<1024x128xf32>
    %mul3A_86 = arith.mulf %mul3A_84, %mul3A_85 : vector<1024x128xf32>
    %mul3A_87 = vector.broadcast %slice3A_2 : vector<1024x1xf32> to vector<1024x128xf32>
    %mul3A_88 = vector.broadcast %select_n3A_83 : vector<1x128xf32> to vector<1024x128xf32>
    %mul3A_89 = arith.mulf %mul3A_87, %mul3A_88 : vector<1024x128xf32>
    %add3A_90 = arith.addf %mul3A_86, %mul3A_89 : vector<1024x128xf32>
    %add3A_91 = arith.constant 5.000000e-01 : f32
    %add3A_92 = vector.broadcast %add3A_91 : f32 to vector<1024x128xf32>
    %add3A_93 = arith.addf %add3A_90, %add3A_92 : vector<1024x128xf32>
    %floor3A = math.floor %add3A_93 : vector<1024x128xf32>
    %sub3A_94 = arith.subf %add3A_90, %floor3A : vector<1024x128xf32>
    %mul3A_95 = arith.mulf %sub3A_94, %sub3A_94 : vector<1024x128xf32>
    %mul3A_96 = arith.constant 5.000000e-01 : f32
    %mul3A_97 = vector.broadcast %mul3A_96 : f32 to vector<1024x128xf32>
    %mul3A_98 = arith.mulf %floor3A, %mul3A_97 : vector<1024x128xf32>
    %floor3A_99 = math.floor %mul3A_98 : vector<1024x128xf32>
    %sub3A_100 = arith.subf %mul3A_98, %floor3A_99 : vector<1024x128xf32>
    %mul3A_101 = arith.constant 4.000000e+00 : f32
    %mul3A_102 = vector.broadcast %mul3A_101 : f32 to vector<1024x128xf32>
    %mul3A_103 = arith.mulf %mul3A_102, %sub3A_100 : vector<1024x128xf32>
    %sub3A_104 = arith.constant 1.000000e+00 : f32
    %sub3A_105 = vector.broadcast %sub3A_104 : f32 to vector<1024x128xf32>
    %sub3A_106 = arith.subf %sub3A_105, %mul3A_103 : vector<1024x128xf32>
    %mul3A_107 = arith.mulf %sub3A_106, %sub3A_94 : vector<1024x128xf32>
    %mul3A_108 = arith.constant 0.0821458846 : f32
    %mul3A_109 = vector.broadcast %mul3A_108 : f32 to vector<1024x128xf32>
    %mul3A_110 = arith.mulf %mul3A_95, %mul3A_109 : vector<1024x128xf32>
    %add3A_111 = arith.constant -0.599264503 : f32
    %add3A_112 = vector.broadcast %add3A_111 : f32 to vector<1024x128xf32>
    %add3A_113 = arith.addf %add3A_112, %mul3A_110 : vector<1024x128xf32>
    %mul3A_114 = arith.mulf %mul3A_95, %add3A_113 : vector<1024x128xf32>
    %add3A_115 = arith.constant 2.55016398 : f32
    %add3A_116 = vector.broadcast %add3A_115 : f32 to vector<1024x128xf32>
    %add3A_117 = arith.addf %add3A_116, %mul3A_114 : vector<1024x128xf32>
    %mul3A_118 = arith.mulf %mul3A_95, %add3A_117 : vector<1024x128xf32>
    %add3A_119 = arith.constant -5.16771269 : f32
    %add3A_120 = vector.broadcast %add3A_119 : f32 to vector<1024x128xf32>
    %add3A_121 = arith.addf %add3A_120, %mul3A_118 : vector<1024x128xf32>
    %mul3A_122 = arith.mulf %mul3A_95, %add3A_121 : vector<1024x128xf32>
    %add3A_123 = arith.constant 3.14159274 : f32
    %add3A_124 = vector.broadcast %add3A_123 : f32 to vector<1024x128xf32>
    %add3A_125 = arith.addf %add3A_124, %mul3A_122 : vector<1024x128xf32>
    %mul3A_126 = arith.mulf %mul3A_107, %add3A_125 : vector<1024x128xf32>
    %mul3A_127 = arith.constant 0.235330626 : f32
    %mul3A_128 = vector.broadcast %mul3A_127 : f32 to vector<1024x128xf32>
    %mul3A_129 = arith.mulf %mul3A_95, %mul3A_128 : vector<1024x128xf32>
    %add3A_130 = arith.constant -1.33526278 : f32
    %add3A_131 = vector.broadcast %add3A_130 : f32 to vector<1024x128xf32>
    %add3A_132 = arith.addf %add3A_131, %mul3A_129 : vector<1024x128xf32>
    %mul3A_133 = arith.mulf %mul3A_95, %add3A_132 : vector<1024x128xf32>
    %add3A_134 = arith.constant 4.05871201 : f32
    %add3A_135 = vector.broadcast %add3A_134 : f32 to vector<1024x128xf32>
    %add3A_136 = arith.addf %add3A_135, %mul3A_133 : vector<1024x128xf32>
    %mul3A_137 = arith.mulf %mul3A_95, %add3A_136 : vector<1024x128xf32>
    %add3A_138 = arith.constant -4.93480206 : f32
    %add3A_139 = vector.broadcast %add3A_138 : f32 to vector<1024x128xf32>
    %add3A_140 = arith.addf %add3A_139, %mul3A_137 : vector<1024x128xf32>
    %mul3A_141 = arith.mulf %mul3A_95, %add3A_140 : vector<1024x128xf32>
    %add3A_142 = arith.constant 1.000000e+00 : f32
    %add3A_143 = vector.broadcast %add3A_142 : f32 to vector<1024x128xf32>
    %add3A_144 = arith.addf %add3A_143, %mul3A_141 : vector<1024x128xf32>
    %mul3A_145 = arith.mulf %sub3A_106, %add3A_144 : vector<1024x128xf32>
    %lt3A_146 = arith.constant 64 : i32
    %lt3A_147 = vector.broadcast %lt3A_146 : i32 to vector<1x128xi32>
    %lt3A_148 = arith.cmpi slt, %iota3A, %lt3A_147 : vector<1x128xi32>
    %broadcast_in_dim3A_149 = vector.shape_cast %lt3A_148 : vector<1x128xi1> to vector<1x128xi1>
    %broadcast_in_dim3A_150 = vector.broadcast %broadcast_in_dim3A_149 : vector<1x128xi1> to vector<1024x128xi1>
    %select_n3A_151 = arith.select %broadcast_in_dim3A_150, %mul3A_126, %mul3A_145 : vector<1024x128xi1>, vector<1024x128xf32>
    %swap3A = arith.constant 0 : index
    %swap3A_152 = arith.constant 0 : index
    %swap3A_153 = vector.load %arg2[%swap3A, %swap3A_152] : memref<1024x136xf32, #tpu.memory_space<vmem>>, vector<1024x128xf32>
    tpu.vector_store %arg2[%swap3A, %swap3A_152], %select_n3A_151 {strides = array<i32>} : memref<1024x136xf32, #tpu.memory_space<vmem>>, vector<1024x128xf32>,
    %iota3A_154 = tpu.iota {dimensions = array<i32: 1>} : vector<1x8xi32>
    %add3A_155 = arith.constant 1 : i32
    %add3A_156 = vector.broadcast %add3A_155 : i32 to vector<1x8xi32>
    %add3A_157 = arith.addi %iota3A_154, %add3A_156 : vector<1x8xi32>
    %convert_element_type3A_158 = arith.fptosi %slice3A_3 : vector<1024x1xf32> to vector<1024x1xi32>
    %eq3A_159 = vector.broadcast %convert_element_type3A_158 : vector<1024x1xi32> to vector<1024x8xi32>
    %eq3A_160 = vector.broadcast %add3A_157 : vector<1x8xi32> to vector<1024x8xi32>
    %eq3A_161 = arith.cmpi eq, %eq3A_159, %eq3A_160 : vector<1024x8xi32>
    %convert_element_type3A_162 = arith.extui %eq3A_161 : vector<1024x8xi1> to vector<1024x8xi32>
    %convert_element_type3A_163 = arith.sitofp %convert_element_type3A_162 : vector<1024x8xi32> to vector<1024x8xf32>
    %swap3A_164 = arith.constant 0 : index
    %swap3A_165 = arith.constant 128 : index
    %swap3A_166 = vector.load %arg2[%swap3A_164, %swap3A_165] : memref<1024x136xf32, #tpu.memory_space<vmem>>, vector<1024x8xf32>
    tpu.vector_store %arg2[%swap3A_164, %swap3A_165], %convert_element_type3A_163 {strides = array<i32>} : memref<1024x136xf32, #tpu.memory_space<vmem>>, vector<1024x8xf32>,
    return
  }
  func.func @transform_0(%arg0: i32) -> (i32, i32) {
    %c0_i32 = arith.constant 0 : i32
    %c0_i32_0 = arith.constant 0 : i32
    return %arg0, %c0_i32 : i32, i32
  }
  func.func @transform_1(%arg0: i32) -> (i32, i32) {
    %c0_i32 = arith.constant 0 : i32
    %c0_i32_0 = arith.constant 0 : i32
    return %arg0, %c0_i32 : i32, i32
  }
}

</mosaic_0001>

<sc_bundles>
// kernel: sparse-core-data-format-call.cloned.1.call-start
scs
called_computation_lowered:
.L_overlay_start_0:
0x0: {  	s2 =	sld [smem:$0x3FD9]  }
0x1: {  	s3 =	sld [smem:$0x3FFE];
	_ =	sdelay $0x1  }
0x2: {  	s1 =	srdreg.scid  }
0x3: {  	s0 =	sand.u32 $0x1, s1  }
0x4: {  	s18 =	sshll.u32 s0, $0xA;
	s2 =	sadd.s32 s3, s2  }
0x5: {  	s2 =	sadd.s32 s2, s18  }
0x6: {  	[smem:$0x3FC7] =	sst s2  }
0x7: {  	_ = 	snop  }
0x8: {  	s2 =	sld [smem:$0x3FD0];
	(tm) =	ssettm $0x1  }
0x9: {  	s19 =	sld [smem:$0x3FFB];
	_ =	sdelay $0x3  }
0xa: {  	_ =	strace s19  }
0xb: {  	s3 =	sld [smem:$0x3FFC];
	_ =	sdelay $0x3  }
0xc: {  	_ =	strace s3  }
0xd: {  	s3 =	sld [smem:$0x3FFD];
	_ =	sdelay $0x3  }
0xe: {  	_ =	strace s3  }
0xf: {  	_ =	strace $0x8FFFFFFF  }
0x10: {  	s20 =	sld [smem:$0x3FDB];
	_ =	sdelay $0x1  }
0x11: {  	s4 =	simm.s32 $_scs_section_size  }
0x12: {  	s5 =	simm.s32 $_size__tile_overlayer_lowered;
	s6 =	simm.s32 $_tile_overlayer_lowered  }
0x13: {  	s23 =	simm.s32 $0x1BFF;
	s22 =	sshll.u32 s6, $0x1;
	s3 =	sadd.s32 s4, s20  }
0x14: {  	s7 =	simm.s32 $0x0;
	s21 =	sshll.u32 s5, $0x1;
	s5 =	sadd.s32 s22, s3  }
0x15: {  	[timem:s7], [sflag:s23] =	dma.local [hbm:s5], s21  }
0x16: {  	_ =	swait.ge [sflag:s23], s21  }
0x17: {  	s4 =	ssub.s32 $0x0, s21;
	[sflag:s23] =	ssyncset.done $0x0  }
0x18: {  	[sflag:s23] =	ssyncadd.s32 s4;
	_ =	sdelay $0x1  }
0x19: {  	s24 =	simm.s32 $0x1B8B  }
0x1a: {  	_ =	swait.ge [sflag:s24], $0x1  }
0x1b: {  	[sflag:s24] =	ssyncset.done $0x0  }
0x1c: {  	s26 =	simm.s32 $0x1B8E;
	s25 =	sld [smem:$0x3FFE];
	[sflag:s24] =	ssyncadd.s32 $0xFFFFFFFF  }
0x1d: {  	s27 =	simm.s32 $execute0_lowered;
	[smem:$0x3FD2] =	sst s26  }
0x1e: {  	s5 =	sshll.u32 s27, $0x1;
	_ =	strace $0x80000046;
	[dreg:$0x1] =	wrdreg $0xFFFFFFFF  }
0x1f: {  	s28 =	simm.s32 $_size_execute0_lowered;
	s3 =	sadd.s32 s3, s5;
	[dreg:$0x0] =	wrdreg $0x0  }
0x20: {  	s5 =	sshll.u32 s28, $0x1;
	[dreg:$0x2] =	wrdreg s3  }
0x21: {  	[dreg:$0x3] =	wrdreg s5  }
0x22: {  	[dreg:$0x4] =	wrdreg $0xC0  }
0x23: {  	_ =	task [dreg:s7], $0x5FFFF  }
0x24: {  	[dreg:$0x1] =	wrdreg $0xFFFFFFFF  }
0x25: {  	[dreg:$0x0] =	wrdreg $0x60  }
0x26: {  	[dreg:$0x2] =	wrdreg s25  }
0x27: {  	[dreg:$0x3] =	wrdreg s2  }
0x28: {  	[dreg:$0x4] =	wrdreg $0x9  }
0x29: {  	_ =	task.clear_ibuf [dreg:s7], $0x5FFFF;
	_ =	strace $0x90000046  }
0x2a: {  	s29 =	simm.s32 $0x9;
	_ =	strace $0x80000048  }
0x2b: {  	_ =	swait.ge [sflag:s29], $0x1  }
0x2c: {  	[sflag:s29] =	ssyncadd.s32 $0xFFFFFFFF  }
0x2d: {  	_ =	strace $0x90000048  }
0x2e: {  	_ =	sfence  }
0x2f: {  	s30 =	sld [smem:$0x0];
	_ =	sdelay $0x2  }
0x30: {  	s31 =	sshll.u32 s1, $0xD;
	s1 =	sshrl.u32 s1, $0x2  }
0x31: {  	s3 =	sand.u32 $0x4000, s31;
	s1 =	sadd.s32 s1, s30  }
0x32: {  	s0 =	sor.u32 s3, s0;
	s1 =	sshll.u32 s1, $0x11  }
0x33: {  	s0 =	sor.u32 s1, s0  }
0x34: {  	s0 =	sadd.s32 $0x8F2B, s0  }
0x35: {  	[sflag:s0] =	ssyncadd.remote.s32 $0x1  }
0x36: {  	_ =	sfence.sel $0xFFFF  }
0x37: {  	[dreg:$0x0] =	wrdreg $0xFFFFFFFF;
	(pc) =	sbr.abs _section_cstart, $3  }
0x38: {  	[dreg:$0x1] =	wrdreg $0xFFFFFFFF  }
0x39: {  	_ =	task.clear_ibuf [dreg:s7], $0x2FFFF;
	_ =	strace $0x9FFFFFFF  }
0x3a: {  	(tm) =	ssettm $0x7FFFFFFF  }
0x3b: {  	_ =	shalt  }
tec
execute0_lowered:
.L_overlay_start_1:
0x0: {  	(tag) =	ssettag $0x1  }
0x1: {  	s0 =	srdreg.scid;
	s6 =	rddreg [dreg:$0x0]  }
0x2: {  	s3 =	rddreg [dreg:$0x1];
	s1 =	sshll.u32 s0, $0x4  }
0x3: {  	s5 =	simm.s32 $0x1;
	s0 =	stileid.u32;
	s1 =	sand.u32 $0x10, s1  }
0x4: {  	s31 =	simm.s32 $0x2;
	s16 =	simm.s32 $0x0;
	s1 =	sor.u32 s0, s1  }
0x5: {  	s8 =	simm.s32 $0x20000;
	s18 =	simm.s32 $0x0;
	s2 =	sshll.u32 s1, $0x7  }
0x6: {  	s17 =	simm.s32 $0x0;
	s9 =	simm.s32 $0x0;
	s4 =	ssub.s32 $0x4000, s2  }
0x7: {  	s10 =	simm.s32 $0x0;
	s11 =	simm.s32 $0x0;
	s30 =	sand.u32 $0xF80, s4  }
0x8: {  	s12 =	simm.s32 $0x0;
	s13 =	simm.s32 $0x0;
	p0 =	sne.s32 s30, $0x0  }
.Ltmp0:
0x9: {  	s7 =	sshrl.u32 s4, $0xC;
	s5 =	simm.s32 @!p0 $0x0;
	(pc) =	sbr.rel .LBB1_1-.Ltmp0, $4  }
0xa: {  	s15 =	simm.s32 $0x0;
	s1 =	rddreg [dreg:$0x2];
	s5 =	sadd.s32 s5, s7  }
0xb: {  	_ =	strace $0x80000047;
	s4 =	simm.s32 $0x1;
	s5 =	smul.u32 $0x64, s5  }
0xc: {  	s6 =	sadd.s32 $0x1900400, s6;
	s14 =	smov.u32 s2;
	[sflag:s4] =	ssyncpa.u1 $0x0  }
0xd: {  	[sflag:s31] =	ssyncpa.u1 $0x0;
	p0 =	por $0x0, $0x0;
	s7 =	sor.u32 $0x1, s5  }
.LBB1_4:
0xe: {  	s23 =	sshra.s32 s23, $0x2;
	s30 =	sshll.u32 s9, $0xE  }
0xf: {  	p1 =	sgt.s32 s10, $0x31;
	s24 =	smov.u32 s10;
	s25 =	sshra.s32 s10, $0x1F  }
0x10: {  	s26 =	sshll.u32 s11, $0x3;
	s28 =	smov.u32 s11;
	s29 =	sshra.s32 s11, $0x1F  }
0x11: {  	s22 =	sadd.s32 s23, s22;
	s24 =	simm.s32 @!p1 $0x31;
	s25 =	sand.u32 s25, s10  }
0x12: {  	s23 =	sand.u32 $0xFFFE0000, s30;
	s27 =	sand.u32 $0xFFFFFC00, s26;
	p1 =	sgt.s32 s9, $0x8  }
0x13: {  	s31 =	sand.u32 s29, s11;
	s29 =	sshll.u32 s9, $0x7;
	s30 =	sshra.s32 s9, $0x1F  }
0x14: {  	[tilespmem:s21+$0x2040 ss:$0x81] =	vst.msk $0xffff, v4;
	s24 =	ssub.s32 s24, s25;
	s23 =	sadd.s32 s27, s23;
	s27 =	smov.u32 s9  }
0x15: {  	[tilespmem:s21+$0x2850 ss:$0x81] =	vst.msk $0xffff, v3;
	s29 =	sand.u32 $0x380, s29;
	s25 =	sadd.s32 $0xFFFFFFCF, s24;
	s27 =	simm.s32 @!p1 $0x8  }
0x16: {  	v5 =	vld [tilespmem:s20+$0xFFFFFFD0];
	[tilespmem:s21+$0x3060 ss:$0x81] =	vst.msk $0xffff, v2;
	p1 =	sgt.s32 s11, $0x3F80;
	s23 =	sshrl.u32 s23, $0xE;
	s24 =	ssub.s32 $0x32, s24  }
0x17: {  	v58 =	vld [tilespmem:s20+$0xFFFFFFE0];
	[tilespmem:s21+$0x0 ss:$0x81] =	vst.msk $0xffff, v1;
	s28 =	simm.s32 @!p1 $0x3F80;
	p1 =	sgt.s32 s25, $0x0;
	s21 =	smulhi.u32 $0x1E1E1E2, s23  }
0x18: {  	v59 =	vld [tilespmem:s20+$0xFFFFFFF0];
	s25 =	ssub.s32 s28, s31;
	s28 =	sand.u32 s30, s9;
	s24 =	simm.s32 @p1 $0x0  }
0x19: {  	v60 =	vld [tilespmem:s20+$0x0];
	s27 =	ssub.s32 s27, s28;
	s31 =	sadd.s32 $0xFFFFC080, s25;
	s25 =	ssub.s32 $0x4000, s25  }
0x1a: {  	v61 =	vld [tilespmem:s20+$0x10];
	[tilespmem:s22+$0x3870 ss:$0x81] =	vst.msk $0xffff, v0;
	s21 =	smul.u32 $0x88, s21;
	s28 =	sand.u32 $0x7, s11;
	p1 =	sgt.s32 s31, $0x7F  }
0x1b: {  	v62 =	vld [tilespmem:s20+$0x20];
	[tilespmem:s22+$0x810 ss:$0x81] =	vst.msk $0xffff, v5;
	s30 =	sadd.s32 $0xFFFFFFF8, s27;
	s31 =	sand.u32 $0x78, s11;
	s25 =	simm.s32 @p1 $0x0  }
0x1c: {  	v63 =	vld [tilespmem:s20+$0xFFFFFFC0];
	[tilespmem:s22+$0x1020 ss:$0x81] =	vst.msk $0xffff, v58;
	p1 =	sgt.s32 s30, $0x7F;
	s30 =	sand.u32 $0x3C00, s26;
	s24 =	smul.u32 s25, s24  }
0x1d: {  	[tilespmem:s22+$0x1830 ss:$0x81] =	vst.msk $0xffff, v59;
	s26 =	ssub.s32 $0x88, s27;
	s20 =	sor.u32 s31, s30;
	s31 =	smul.u32 $0x44000, s10  }
0x1e: {  	[tilespmem:s22+$0x2040 ss:$0x81] =	vst.msk $0xffff, v60;
	s21 =	ssub.s32 s23, s21;
	s26 =	simm.s32 @p1 $0x0;
	s20 =	sor.u32 s29, s20  }
0x1f: {  	[tilespmem:s22+$0x2850 ss:$0x81] =	vst.msk $0xffff, v61;
	s26 =	smul.u32 s26, s24;
	s20 =	sshrl.u32 s20, $0x3;
	s27 =	sadd.s32 s3, s31  }
0x20: {  	[tilespmem:s22+$0x3060 ss:$0x81] =	vst.msk $0xffff, v62;
	s21 =	sshll.u32 s21, $0xB;
	s29 =	sshll.u32 s28, $0x12;
	s20 =	sadd.s32 s20, s27  }
0x21: {  	[tilespmem:s22+$0x0 ss:$0x81] =	vst.msk $0xffff, v63;
	s31 =	sor.u32 $0x400, s29;
	s30 =	sand.u32 $0x3FFFFFFF, s26;
	s20 =	sadd.s32 s21, s20  }
0x22: {  	[hbm4b:s20+s31] =	stream.strided.scatter [tilespmem:s19], [sflag:$0x2], s30, s8, s31, $0x20;
	[tilespmem:$0x10100] =	vst v63  }
.LBB1_5:
0x23: {  	p1 =	slt.u32 s15, $0x2  }
0x24: {  	p2 =	sgt.s32 @!p1 s18, $0x31  }
0x25: {  	s19 =	smov.u32 s18;
	s20 =	sshra.s32 @!p1 s18, $0x1F;
	p2 =	por !p2, p1  }
0x26: {  	s18 =	sand.u32 @!p1 s20, s18;
	s19 =	simm.s32 @p2 $0x31  }
0x27: {  	p3 =	sgt.s32 @!p1 s16, $0x8;
	s18 =	ssub.s32 @!p1 s19, s18  }
0x28: {  	p4 =	sgt.s32 @!p1 s17, $0x3F80;
	s21 =	sshra.s32 @!p1 s17, $0x1F;
	s19 =	sadd.s32 @!p1 $0xFFFFFFCF, s18  }
0x29: {  	s20 =	smov.u32 s16;
	p2 =	sgt.s32 @!p1 s19, $0x0;
	s19 =	sshra.s32 @!p1 s16, $0x1F  }
0x2a: {  	p4 =	por !p4, p1;
	s16 =	sand.u32 @!p1 s19, s16;
	s19 =	smov.u32 s17  }
0x2b: {  	p3 =	por !p3, p1;
	s17 =	sand.u32 @!p1 s21, s17;
	s19 =	simm.s32 @p4 $0x3F80  }
0x2c: {  	s20 =	simm.s32 @p3 $0x8;
	s18 =	ssub.s32 @!p1 $0x32, s18;
	s17 =	ssub.s32 @!p1 s19, s17  }
0x2d: {  	p2 =	por !p2, p1;
	s16 =	ssub.s32 @!p1 s20, s16;
	s20 =	sadd.s32 @!p1 $0xFFFFC080, s17  }
0x2e: {  	s18 =	simm.s32 @!p2 $0x0;
	p3 =	sgt.s32 @!p1 s20, $0x7F  }
0x2f: {  	s19 =	sadd.s32 @!p1 $0xFFFFFFF8, s16;
	s17 =	ssub.s32 @!p1 $0x4000, s17;
	p3 =	por !p3, p1  }
0x30: {  	p2 =	sgt.s32 @!p1 s19, $0x7F;
	s19 =	sadd.s32 $0x80, s12;
	s17 =	simm.s32 @!p3 $0x0  }
0x31: {  	p3 =	sgt.s32 s19, $0x87;
	s17 =	smul.u32 @!p1 s17, s18;
	s18 =	simm.s32 $0x1  }
0x32: {  	s16 =	ssub.s32 @!p1 $0x88, s16;
	p2 =	por !p2, p1;
	s18 =	simm.s32 @!p3 $0x0  }
0x33: {  	s21 =	smov.u32 s14;
	s16 =	simm.s32 @!p2 $0x0;
	s20 =	sadd.s32 s18, s13  }
0x34: {  	s16 =	smul.u32 @!p1 s16, s17;
	s17 =	sadd.s32 $0x1000, s14;
	p2 =	sgt.s32 s20, $0x31  }
0x35: {  	p0 =	por !p0, !p0;
	s22 =	simm.s32 @!p1 $0x2;
	s21 =	smov.u32 @p2 s17  }
0x36: {  	s19 =	simm.s32 @p3 $0x0;
	s20 =	simm.s32 @p2 $0x0;
	p2 =	sgt.s32 s21, $0x3FFF  }
0x37: {  	s18 =	smov.u32 s10;
	s21 =	smov.u32 @p2 s2;
	p2 =	sne.s32 s15, s7  }
.Ltmp1:
0x38: {  	s10 =	smov.u32 s13;
	s16 =	sand.u32 @!p1 $0x3FFFFFFF, s16;
	(pc) =	sbr.rel @!p2 .LBB1_6-.Ltmp1, $4  }
0x39: {  	s17 =	smov.u32 s11;
	s11 =	smov.u32 s14;
	_ =	swait.ge @!p1 [sflag:s22], s16  }
0x3a: {  	s23 =	ssub.s32 @!p1 $0x0, s16;
	s16 =	smov.u32 s9;
	s9 =	smov.u32 s12  }
0x3b: {  	s12 =	smov.u32 s19;
	s13 =	smov.u32 s20;
	[sflag:s22] =	ssyncset.done @!p1 $0x0  }
0x3c: {  	s15 =	sadd.s32 $0x1, s15;
	[sflag:s22] =	ssyncadd.s32 @!p1 s23;
	s14 =	smov.u32 s21  }
.LBB1_1:
0x3d: {  	p1 =	sge.u32 s15, s5  }
0x3e: {  	s19 =	sshll.u32 @!p1 s13, $0x8;
	s20 =	sshll.u32 @!p1 s12, $0x3  }
0x3f: {  	s21 =	sshll.u32 @!p1 s13, $0x7;
	s19 =	sand.u32 @!p1 $0xFFFFF800, s19;
	s20 =	sand.u32 @!p1 $0xFFFFFC00, s20  }
0x40: {  	s19 =	sadd.s32 @!p1 s19, s20;
	s20 =	sand.u32 @!p1 $0x300, s21  }
0x41: {  	s19 =	sor.u32 @!p1 s20, s19  }
0x42: {  	s19 =	sshrl.u32 @!p1 s19, $0x8  }
0x43: {  	s31 =	sadd.s32 $0xFFFFFFFF, s15;
	s20 =	smulhi.u32 @!p1 $0x4924925, s19  }
0x44: {  	s22 =	sxor.u32 @!p1 $0xFFFFFFFF, s15;
	s23 =	sand.u32 @!p1 $0x78, s12;
	s24 =	smul.u32 @!p1 $0x700, s14  }
0x45: {  	s22 =	sshll.u32 @!p1 s22, $0xE;
	s21 =	sand.u32 @!p1 $0x80, s21;
	s20 =	smul.u32 @!p1 $0x38, s20  }
0x46: {  	s22 =	sand.u32 @!p1 $0x4000, s22;
	s21 =	sor.u32 @!p1 s23, s21;
	s23 =	sand.u32 @!p1 $0x7, s12  }
0x47: {  	s19 =	ssub.s32 @!p1 s19, s20;
	s20 =	sshrl.u32 @!p1 s21, $0x3;
	s21 =	sadd.s32 @!p1 s6, s24  }
0x48: {  	s19 =	sshll.u32 @!p1 s19, $0x5;
	s20 =	sadd.s32 @!p1 s20, s21;
	s21 =	sshll.u32 @!p1 s23, $0x12  }
0x49: {  	s19 =	sadd.s32 @!p1 s19, s20;
	s20 =	sor.u32 @!p1 $0x80, s21;
	s21 =	simm.s32 @!p1 $0x3800  }
0x4a: {  	[tilespmem:s22], [sflag:$0x1] =	stream.strided.gather @!p1 [hbm4b:s19+s20], $0x4000, s21, s20, $0x38;
	[tilespmem:$0x10100] =	vst v63  }
0x4b: {  	p1 =	sge.u32 s31, s5  }
.Ltmp2:
0x4c: {  	_ = 	snop;
	(pc) =	sbr.rel @p1 .LBB1_5-.Ltmp2, $1  }
0x4d: {  	_ =	sdelay $0x3  }
0x4e: {  	s19 =	simm.s32 $0x1  }
0x4f: {  	_ =	swait.ge [sflag:s4], $0x4000;
	s19 =	simm.s32 @!p0 $0x0  }
0x50: {  	[sflag:s4] =	ssyncset.done $0x0;
	s20 =	sshll.u32 s19, $0xE  }
0x51: {  	[sflag:s4] =	ssyncadd.s32 $0xFFFFC000;
	s20 =	sor.u32 $0x40, s20  }
0x52: {  	s19 =	smul.u32 $0x10200, s19;
	v0 =	vld [tilespmem:s20+$0x30]  }
0x53: {  	v1 =	vld [tilespmem:s20+$0xFFFFFFD0]  }
0x54: {  	s19 =	sshrl.u32 s19, $0x2;
	v5 =	vld [tilespmem:s20+$0xFFFFFFE0]  }
0x55: {  	v6 =	vld [tilespmem:s20+$0xFFFFFFF0];
	s22 =	sor.u32 $0x8000, s19  }
0x56: {  	s31 =	sand.u32 $0x1, s15;
	v4 =	vld [tilespmem:s20+$0x0];
	s21 =	sadd.s32 $0x0, s22  }
0x57: {  	v3 =	vld [tilespmem:s20+$0x10];
	s19 =	smul.u32 $0x10200, s31;
	[tilespmem:s21+$0x3870 ss:$0x81] =	vst.msk $0xffff, v0  }
0x58: {  	v2 =	vld [tilespmem:s20+$0x20];
	[tilespmem:s21+$0x810 ss:$0x81] =	vst.msk $0xffff, v1  }
0x59: {  	s19 =	sshrl.u32 s19, $0x2;
	v1 =	vld [tilespmem:s20+$0xFFFFFFC0];
	[tilespmem:s21+$0x1020 ss:$0x81] =	vst.msk $0xffff, v5;
	s20 =	sadd.s32 $0x80, s20  }
0x5a: {  	s23 =	simm.s32 $0x4;
	s24 =	simm.s32 $0x8;
	s19 =	sor.u32 $0x8000, s19;
	[tilespmem:s21+$0x1830 ss:$0x81] =	vst.msk $0xffff, v6;
	v0 =	vld [tilespmem:s20+$0x30]  }
.LBB1_3:
0x5b: {  	p1 =	sne.s32 s24, $0x1FC;
	v5 =	vld [tilespmem:s20+$0xFFFFFFD0];
	[tilespmem:s21+$0x2040 ss:$0x81] =	vst.msk $0xffff, v4  }
0x5c: {  	v6 =	vld [tilespmem:s20+$0xFFFFFFE0];
	[tilespmem:s21+$0x2850 ss:$0x81] =	vst.msk $0xffff, v3  }
0x5d: {  	s25 =	sshra.s32 s23, $0x2;
	s23 =	smov.u32 s24;
	v7 =	vld [tilespmem:s20+$0xFFFFFFF0];
	[tilespmem:s21+$0x3060 ss:$0x81] =	vst.msk $0xffff, v2  }
.Ltmp3:
0x5e: {  	v4 =	vld [tilespmem:s20+$0x0];
	[tilespmem:s21+$0x0 ss:$0x81] =	vst.msk $0xffff, v1;
	s21 =	sadd.s32 s25, s22;
	(pc) =	sbr.rel @p1 .LBB1_3-.Ltmp3, $4  }
0x5f: {  	v3 =	vld [tilespmem:s20+$0x10];
	[tilespmem:s21+$0x3870 ss:$0x81] =	vst.msk $0xffff, v0  }
0x60: {  	[tilespmem:s21+$0x810 ss:$0x81] =	vst.msk $0xffff, v5;
	v2 =	vld [tilespmem:s20+$0x20]  }
0x61: {  	v1 =	vld [tilespmem:s20+$0xFFFFFFC0];
	[tilespmem:s21+$0x1020 ss:$0x81] =	vst.msk $0xffff, v6;
	s20 =	sadd.s32 $0x80, s20  }
0x62: {  	s24 =	sadd.s32 $0x4, s24;
	v0 =	vld [tilespmem:s20+$0x30];
	[tilespmem:s21+$0x1830 ss:$0x81] =	vst.msk $0xffff, v7  }
.Ltmp4:
0x63: {  	_ = 	snop;
	(pc) =	sbr.rel .LBB1_4-.Ltmp4, $1  }
0x64: {  	_ =	sdelay $0x3  }
.LBB1_6:
0x65: {  	_ =	sfence.sel $0x180000  }
0x66: {  	s2 =	simm.s32 $0x1;
	[bflag:$0x0] =	sbarrier.arrive $0xFFFF  }
0x67: {  	s31 =	simm.s32 $0x2;
	[sflag:s2] =	ssyncpa.u1 $0x1  }
0x68: {  	[sflag:s31] =	ssyncpa.u1 $0x1  }
0x69: {  	p0 =	sne.s32 s0, $0x0;
	_ =	strace $0x90000047  }
0x6a: {  	s0 =	sadd.s32 @!p0 $0x100000, s1;
	[bflag:$0x2] =	sbarrier.arrive $0xFFFF  }
0x6b: {  	[sflag:s0] =	ssyncadd.tile.s32 @!p0 $0x1;
	_ =	shalt  }
.Lfunc_end1:
_tile_overlayer_lowered:
.L_overlay_start_2:
0x6c: {  	(tag) =	ssettag $0x2  }
0x6d: {  	s0 =	rddreg [dreg:$0x0];
	s2 =	stileid.u32  }
0x6e: {  	s1 =	rddreg [dreg:$0x1];
	p0 =	sne.s32 s2, $0x0  }
0x6f: {  	s3 =	rddreg [dreg:$0x2];
	[bflag:$0x3] =	sbarrier.arrive $0xFFFF;
	s2 =	simm.s32 @!p0 $0x1C01  }
0x70: {  	[timem:s3], [sflag:s2] =	dma.local @!p0 [hbm:s0], s1  }
0x71: {  	s0 =	simm.s32 @!p0 $0x1  }
0x72: {  	_ =	swait.ge @!p0 [sflag:s0], s1  }
0x73: {  	s1 =	ssub.s32 @!p0 $0x0, s1;
	[sflag:s0] =	ssyncset.done @!p0 $0x0  }
0x74: {  	[sflag:s0] =	ssyncadd.s32 @!p0 s1  }
0x75: {  	[bflag:$0x3] =	sbarrier.arrive $0xFFFF  }
0x76: {  	_ =	shalt  }

</sc_bundles>
